<compile_context>
chip_gen: v7x
topology: tpu7x:2x2x1
jax: 0.10.2.dev20260603
libtpu: 0.0.44.dev20260713+nightly
codegen_flags: <defaults>
</compile_context>

<pallas_src>
import functools
import math

import jax
import jax.numpy as jnp
from jax import lax
from jax.experimental import pallas as pl

NUM_CLASSES = 81
THRESHOLD = 0.5
NEGPOS = 3
VAR0 = 0.1
VAR1 = 0.2
LOG099 = math.log(0.99)


def _match_body(t_ref, pri_ref, loc_ref, conf_out, npos_out, lossl_out, *, n_obj, n_priors):
    t = t_ref[0]
    tx1 = t[:, 0:1]
    ty1 = t[:, 1:2]
    tx2 = t[:, 2:3]
    ty2 = t[:, 3:4]
    lab = t[:, 4:5]
    pcx = pri_ref[0:1, :]
    pcy = pri_ref[1:2, :]
    pw = pri_ref[2:3, :]
    ph = pri_ref[3:4, :]
    px1 = pcx - pw * 0.5
    py1 = pcy - ph * 0.5
    px2 = pcx + pw * 0.5
    py2 = pcy + ph * 0.5

    iw = jnp.clip(jnp.minimum(tx2, px2) - jnp.maximum(tx1, px1), 0.0)
    ih = jnp.clip(jnp.minimum(ty2, py2) - jnp.maximum(ty1, py1), 0.0)
    inter = iw * ih
    area_t = (tx2 - tx1) * (ty2 - ty1)
    area_p = (px2 - px1) * (py2 - py1)
    ov = inter / (area_t + area_p - inter)

    lane_i = lax.broadcasted_iota(jnp.int32, ov.shape, 1)
    sub_i = lax.broadcasted_iota(jnp.int32, ov.shape, 0)

    mx = jnp.max(ov, axis=1, keepdims=True)
    bpi = jnp.min(jnp.where(ov == mx, lane_i, n_priors), axis=1, keepdims=True)

    bto = ov[0:1, :]
    bti = jnp.zeros((1, ov.shape[1]), jnp.int32)
    for i in range(1, n_obj):
        o = ov[i:i + 1, :]
        upd = o > bto
        bti = jnp.where(upd, i, bti)
        bto = jnp.maximum(bto, o)

    forced = lane_i == bpi
    fa = jnp.max(forced.astype(jnp.int32), axis=0, keepdims=True) > 0
    last_i = jnp.max(jnp.where(forced, sub_i, -1), axis=0, keepdims=True)
    bti = jnp.where(fa, last_i, bti)
    bto = jnp.where(fa, 2.0, bto)

    sel = sub_i == bti
    mx1 = jnp.sum(jnp.where(sel, tx1, 0.0), axis=0, keepdims=True)
    my1 = jnp.sum(jnp.where(sel, ty1, 0.0), axis=0, keepdims=True)
    mx2 = jnp.sum(jnp.where(sel, tx2, 0.0), axis=0, keepdims=True)
    my2 = jnp.sum(jnp.where(sel, ty2, 0.0), axis=0, keepdims=True)
    mlab = jnp.sum(jnp.where(sel, lab, 0.0), axis=0, keepdims=True)

    conf = jnp.where(bto < THRESHOLD, 0, mlab.astype(jnp.int32) + 1)
    posf = (conf > 0).astype(jnp.float32)

    g_cx = ((mx1 + mx2) * 0.5 - pcx) / (VAR0 * pw)
    g_cy = ((my1 + my2) * 0.5 - pcy) / (VAR0 * ph)
    g_w = jnp.log(jnp.clip((mx2 - mx1) / pw, 1e-8)) / VAR1
    g_h = jnp.log(jnp.clip((my2 - my1) / ph, 1e-8)) / VAR1

    acc = jnp.zeros_like(g_cx)
    for j, g in enumerate((g_cx, g_cy, g_w, g_h)):
        d = loc_ref[0, j:j + 1, :] - g
        ad = jnp.abs(d)
        acc = acc + jnp.where(ad < 1.0, 0.5 * d * d, ad - 0.5)

    conf_out[0] = conf
    npos_out[...] = jnp.zeros_like(npos_out) + jnp.sum(posf)
    lossl_out[...] = jnp.zeros_like(lossl_out) + jnp.sum(acc * posf)


def _conf_body(c_ref, ct_ref, lossc_out, idx_out, ce_out, *, n_classes):
    c = c_ref[...]
    ct = ct_ref[...]
    m = jnp.max(c)
    e = jnp.exp(c - m)
    s = jnp.sum(e, axis=1, keepdims=True)
    lse = jnp.log(s) + m
    col = lax.broadcasted_iota(jnp.int32, c.shape, 1)
    picked = jnp.sum(jnp.where(col == ct, c, 0.0), axis=1, keepdims=True)
    c0 = c[:, 0:1]
    pos = ct > 0
    lc = lse - picked
    lossc_out[...] = jnp.where(pos, 0.0, lc)
    idx_out[...] = (pos | (c0 - lse < LOG099)).astype(jnp.int32)

    part = jnp.sum(jnp.where(pos, lc, 0.0))

    @pl.when(pl.program_id(0) == 0)
    def _():
        ce_out[...] = jnp.zeros_like(ce_out)

    ce_out[...] += part


def _final_body(lc_ref, npos_ref, lossl_ref, ce_ref, out_ref, *, n_priors):
    lc = lc_ref[...]
    bits = lax.bitcast_convert_type(lc, jnp.int32)
    npos = npos_ref[:, 0:1]
    k = jnp.minimum(NEGPOS * npos, float(n_priors - 1))

    def body(_, carry):
        lo, hi = carry
        mid = lo + ((hi - lo + 1) >> 1)
        cnt = jnp.sum((bits >= mid).astype(jnp.float32), axis=1, keepdims=True)
        ge = cnt >= k
        lo = jnp.where(ge, mid, lo)
        hi = jnp.where(ge, hi, mid - 1)
        return lo, hi

    b = lc.shape[0]
    lo0 = jnp.zeros((b, 1), jnp.int32)
    hi0 = jnp.full((b, 1), 0x7F800000, jnp.int32)
    lo, _ = lax.fori_loop(0, 31, body, (lo0, hi0))
    tval = lax.bitcast_convert_type(lo, jnp.float32)
    gt = bits > lo
    sum_gt = jnp.sum(jnp.where(gt, lc, 0.0), axis=1, keepdims=True)
    cnt_gt = jnp.sum(gt.astype(jnp.float32), axis=1, keepdims=True)
    topk = jnp.where(k > 0.5, sum_gt + (k - cnt_gt) * tval, 0.0)

    n_tot = jnp.sum(npos)
    loss_l = jnp.sum(lossl_ref[:, 0:1]) / n_tot
    loss_c = (ce_ref[0, 0] + jnp.sum(topk)) / n_tot
    ri = lax.broadcasted_iota(jnp.int32, out_ref.shape, 0)
    out_ref[...] = jnp.where(ri == 0, loss_l, jnp.where(ri == 1, loss_c, 0.0))


def kernel(loc_data, conf_data, weights, priors, targets):
    del weights
    b, p, c = conf_data.shape
    n_obj = targets.shape[1]
    r = b * p

    br = 0
    for cand in (4416, 5696, 1472, 736, 8):
        if r % cand == 0:
            br = cand
            break
    nblk = r // br

    pri_t = priors.T
    loc_t = jnp.transpose(loc_data, (0, 2, 1))
    conf2 = conf_data.reshape(r, c)

    _EXP = 1
    if _EXP == 1:
        def _ro_body(c_ref, acc_out):
            s = jnp.sum(c_ref[...])

            @pl.when(pl.program_id(0) == 0)
            def _():
                acc_out[...] = jnp.zeros_like(acc_out)

            acc_out[...] += s

        conf_pad = jnp.pad(conf2, ((0, 0), (0, 128 - c)))
        ce = pl.pallas_call(
            _ro_body,
            grid=(r // br,),
            in_specs=[pl.BlockSpec((br, 128), lambda i: (i, 0))],
            out_specs=pl.BlockSpec((1, 128), lambda i: (0, 0)),
            out_shape=jax.ShapeDtypeStruct((1, 128), jnp.float32),
        )(conf_pad)
        index = jnp.zeros((b, p), bool)
        return (ce[0, 0], ce[0, 1], jnp.float32(1.0), index)

    conf_t, npos, lossl = pl.pallas_call(
        functools.partial(_match_body, n_obj=n_obj, n_priors=p),
        grid=(b,),
        in_specs=[
            pl.BlockSpec((1, n_obj, 5), lambda i: (i, 0, 0)),
            pl.BlockSpec(pri_t.shape, lambda i: (0, 0)),
            pl.BlockSpec((1, 4, p), lambda i: (i, 0, 0)),
        ],
        out_specs=[
            pl.BlockSpec((1, 1, p), lambda i: (i, 0, 0)),
            pl.BlockSpec((1, 1, 128), lambda i: (i, 0, 0)),
            pl.BlockSpec((1, 1, 128), lambda i: (i, 0, 0)),
        ],
        out_shape=[
            jax.ShapeDtypeStruct((b, 1, p), jnp.int32),
            jax.ShapeDtypeStruct((b, 1, 128), jnp.float32),
            jax.ShapeDtypeStruct((b, 1, 128), jnp.float32),
        ],
    )(targets, pri_t, loc_t)
    npos = npos.reshape(b, 128)
    lossl = lossl.reshape(b, 128)

    ct_flat = conf_t.reshape(r, 1)
    lossc, idx, ce = pl.pallas_call(
        functools.partial(_conf_body, n_classes=c),
        grid=(nblk,),
        in_specs=[
            pl.BlockSpec((br, c), lambda i: (i, 0)),
            pl.BlockSpec((br, 1), lambda i: (i, 0)),
        ],
        out_specs=[
            pl.BlockSpec((br, 1), lambda i: (i, 0)),
            pl.BlockSpec((br, 1), lambda i: (i, 0)),
            pl.BlockSpec((1, 128), lambda i: (0, 0)),
        ],
        out_shape=[
            jax.ShapeDtypeStruct((r, 1), jnp.float32),
            jax.ShapeDtypeStruct((r, 1), jnp.int32),
            jax.ShapeDtypeStruct((1, 128), jnp.float32),
        ],
    )(conf2, ct_flat)

    out = pl.pallas_call(
        functools.partial(_final_body, n_priors=p),
        out_shape=jax.ShapeDtypeStruct((8, 128), jnp.float32),
    )(lossc.reshape(b, p), npos, lossl, ce)

    index = idx.reshape(b, p).astype(bool)
    return (out[0, 0], out[1, 0], jnp.float32(1.0), index)

# --- scband reference (transcript-rebuilt; emitter-appended) ---
"""Pipeline reference for scband-arloss-27900107555508 (READ-ONLY COPY).

The authoritative reference and input builder live on the scoring server;
editing this copy changes nothing except your own understanding.
"""

import jax, jax.numpy as jnp
import numpy as np

NUM_CLASSES = 81
THRESHOLD = 0.5
NEGPOS = 3
VARIANCES = (0.1, 0.2)


def point_form(boxes):
    return jnp.concatenate([boxes[:, :2] - boxes[:, 2:] / 2,
                            boxes[:, :2] + boxes[:, 2:] / 2], axis=1)


def intersect(a, b):
    max_xy = jnp.minimum(a[:, None, 2:], b[None, :, 2:])
    min_xy = jnp.maximum(a[:, None, :2], b[None, :, :2])
    inter = jnp.clip(max_xy - min_xy, 0.0)
    return inter[..., 0] * inter[..., 1]


def jaccard(a, b):
    inter = intersect(a, b)
    area_a = ((a[:, 2] - a[:, 0]) * (a[:, 3] - a[:, 1]))[:, None]
    area_b = ((b[:, 2] - b[:, 0]) * (b[:, 3] - b[:, 1]))[None, :]
    return inter / (area_a + area_b - inter)


def encode(matched, priors, variances):
    g_cxcy = (matched[:, :2] + matched[:, 2:]) / 2 - priors[:, :2]
    g_cxcy = g_cxcy / (variances[0] * priors[:, 2:])
    g_wh = jnp.log(jnp.clip((matched[:, 2:] - matched[:, :2]) / priors[:, 2:], 1e-8)) / variances[1]
    return jnp.concatenate([g_cxcy, g_wh], axis=1)


def match_one(truths, labels, priors, erf):
    # priors in center-size form; ERF-aware match (match2 reimplementation)
    overlaps = jaccard(truths, point_form(priors))          # [n_obj, P]
    best_prior_idx = jnp.argmax(overlaps, axis=1)           # [n_obj]
    best_truth_overlap = overlaps.max(axis=0)               # [P]
    best_truth_idx = overlaps.argmax(axis=0)                # [P]
    best_truth_overlap = best_truth_overlap.at[best_prior_idx].set(2.0)
    best_truth_idx = best_truth_idx.at[best_prior_idx].set(jnp.arange(truths.shape[0]))
    matches = truths[best_truth_idx]                        # [P, 4]
    conf = labels[best_truth_idx].astype(jnp.int32) + 1
    conf = jnp.where(best_truth_overlap < THRESHOLD, 0, conf)
    loc = encode(matches, priors, VARIANCES)
    gt_size = jnp.sqrt(jnp.clip((matches[:, 2] - matches[:, 0]) * (matches[:, 3] - matches[:, 1]), 1e-8)) * 512.0
    ratio = gt_size / erf
    tag = jnp.where(ratio < 0.5, 1.0, jnp.where(ratio < 2.0, 2.0, 3.0))
    tag = jnp.where(conf > 0, tag, 0.0)
    wval = jnp.exp(-jnp.square(jnp.log(jnp.clip(ratio, 1e-6))))
    weight = jnp.stack([wval, wval, wval, tag], axis=1)     # [P, 4]
    return loc, conf, weight


def log_sum_exp(x):
    x_max = x.max()
    return jnp.log(jnp.sum(jnp.exp(x - x_max), axis=1, keepdims=True)) + x_max


def setup_inputs(seed: int = 0):
    key = jax.random.key(seed)
    ks = jax.random.split(key, 8)
    B, P, C, NOBJ = 16, 24564, 81, 16
    loc_data = jax.random.normal(ks[0], (B, P, 4), jnp.float32)
    conf_data = jax.random.normal(ks[1], (B, P, C), jnp.float32)
    weights = jax.random.uniform(ks[2], (B, P // 3, 3), jnp.float32)
    cxy = jax.random.uniform(ks[3], (P, 2), jnp.float32)
    wh = jax.random.uniform(ks[4], (P, 2), jnp.float32, 0.02, 0.3)
    erf = jax.random.uniform(ks[5], (P, 1), jnp.float32, 16.0, 256.0)
    priors = jnp.concatenate([cxy, wh, erf], axis=1)
    xy1 = jax.random.uniform(ks[6], (B, NOBJ, 2), jnp.float32, 0.0, 0.6)
    sz = jax.random.uniform(ks[7], (B, NOBJ, 2), jnp.float32, 0.05, 0.35)
    xy2 = jnp.clip(xy1 + sz, 0.0, 1.0)
    lab = jax.random.randint(jax.random.fold_in(key, 9), (B, NOBJ, 1), 0, C - 1).astype(jnp.float32)
    targets = jnp.concatenate([xy1, xy2, lab], axis=2)
    return {"loc_data": loc_data, "conf_data": conf_data, "weights": weights,
            "priors": priors, "targets": targets}


def reference(loc_data, conf_data, weights, priors, targets):
    erf = priors[:, -1]
    pri = priors[:, :-1]
    num = loc_data.shape[0]
    num_priors = pri.shape[0]
    loc_t, conf_t, weight_t = jax.vmap(lambda t, l: match_one(t, l, pri, erf))(
        targets[:, :, :-1], targets[:, :, -1])
    loc_t = jax.lax.stop_gradient(loc_t)
    pos = conf_t > 0
    # localization loss: SmoothL1, sum over positive priors
    diff = loc_data - loc_t
    ad = jnp.abs(diff)
    sl1 = jnp.where(ad < 1.0, 0.5 * diff * diff, ad - 0.5)
    loss_l = jnp.sum(sl1 * pos[..., None].astype(sl1.dtype))
    # hard negative mining
    batch_conf = conf_data.reshape(-1, NUM_CLASSES)
    loss_c = (log_sum_exp(batch_conf) - jnp.take_along_axis(batch_conf, conf_t.reshape(-1, 1), axis=1)).reshape(-1)
    x_max = batch_conf.max()
    temp = jnp.exp(batch_conf[:, 0] - x_max) / jnp.sum(jnp.exp(batch_conf - x_max), axis=1)
    temp_idx = (temp < 0.99).reshape(num, -1)
    loss_c = jnp.where(pos.reshape(-1), 0.0, loss_c).reshape(num, -1)
    loss_idx = jnp.argsort(-loss_c, axis=1)
    idx_rank = jnp.argsort(loss_idx, axis=1)
    num_pos = pos.astype(jnp.int32).sum(axis=1, keepdims=True)
    num_neg = jnp.minimum(NEGPOS * num_pos, num_priors - 1)
    neg = idx_rank < num_neg
    sel = jnp.logical_or(pos, neg)
    # confidence loss: CE summed over pos+neg priors
    lse = jax.nn.logsumexp(conf_data, axis=2)
    picked = jnp.take_along_axis(conf_data, conf_t[..., None], axis=2)[..., 0]
    ce = lse - picked
    loss_c_final = jnp.sum(ce * sel.astype(ce.dtype))
    # weight bookkeeping branch (output loss_w is the constant 1 as in original)
    w_temp = weight_t.reshape(num, num_priors // 3, 3, 4)
    temp_ = (w_temp[..., -1] > 0).astype(jnp.float32).sum(axis=2)
    w_t = w_temp[..., :-1].sum(axis=2) / jnp.maximum(temp_, 1.0)[..., None]
    pos_idx_2 = pos.reshape(num, num_priors // 3, 3).astype(jnp.float32).sum(axis=2)[..., None]
    neg_idx_2 = neg.reshape(num, num_priors // 3, 3).astype(jnp.float32).sum(axis=2)[..., None]
    _ = (weights * ((pos_idx_2 + neg_idx_2) > 0), w_t)
    N = num_pos.sum().astype(jnp.float32)
    loss_l = loss_l / N
    loss_c_final = loss_c_final / N
    index = jnp.logical_or(pos, temp_idx)
    return (loss_l, loss_c_final, jnp.float32(1.0), index)

if __name__ == "__main__":
    import jax
    _d = setup_inputs()
    print(jax.jit(kernel)(*tuple(_d.values())))

</pallas_src>

<mosaic_0001>
module attributes {stable_mosaic.version = 14 : i64} {
  func.func @_ro_body(%arg0: i32, %arg1: memref<4416x128xf32, #tpu.memory_space<vmem>>, %arg2: memref<1x128xf32, #tpu.memory_space<vmem>>) attributes {dimension_semantics = [#tpu.dimension_semantics<arbitrary>], iteration_bounds = array<i64: 89>, scalar_prefetch = 0 : i64, scratch_operands = 0 : i64, tpu.core_type = #tpu.core_type<tc>, window_params = [{transform_indices = @transform_0, window_bounds = array<i64: 4416, 128>}, {pipeline_mode = #tpu.pipeline_mode<synchronous>, transform_indices = @transform_1, window_bounds = array<i64: 1, 128>}]} {
    %get3A = arith.constant 0 : index
    %get3A_0 = arith.constant 0 : index
    %get3A_1 = vector.load %arg1[%get3A, %get3A_0] : memref<4416x128xf32, #tpu.memory_space<vmem>>, vector<4416x128xf32>
    %reduce_sum3A = vector.shape_cast %get3A_1 : vector<4416x128xf32> to vector<1x4416x128xf32>
    %reduce_sum3A_2 = arith.constant dense<0.000000e+00> : vector<1xf32>
    %reduce_sum3A_3 = vector.multi_reduction <add>, %reduce_sum3A, %reduce_sum3A_2 [1, 2] : vector<1x4416x128xf32> to vector<1xf32>
    %reduce_sum3A_4 = vector.shape_cast %reduce_sum3A_3 : vector<1xf32> to vector<1x1x1xf32>
    %reduce_sum3A_5 = vector.extract %reduce_sum3A_4[0, 0, 0] : f32 from vector<1x1x1xf32>
    %eq3A = arith.constant 0 : i32
    %eq3A_6 = arith.cmpi eq, %arg0, %eq3A : i32
    %convert_element_type3A = arith.extui %eq3A_6 : i1 to i32
    %cond3A = arith.constant 0 : i32
    %cond3A_7 = arith.cmpi ne, %convert_element_type3A, %cond3A : i32
    scf.if %cond3A_7 {
      %broadcast_in_dim3A = arith.constant 0.000000e+00 : f32
      %broadcast_in_dim3A_14 = vector.broadcast %broadcast_in_dim3A : f32 to vector<1x128xf32>
      %swap3A_15 = arith.constant 0 : index
      %swap3A_16 = arith.constant 0 : index
      %swap3A_17 = vector.load %arg2[%swap3A_15, %swap3A_16] : memref<1x128xf32, #tpu.memory_space<vmem>>, vector<1x128xf32>
      tpu.vector_store %arg2[%swap3A_15, %swap3A_16], %broadcast_in_dim3A_14 {strides = array<i32>} : memref<1x128xf32, #tpu.memory_space<vmem>>, vector<1x128xf32>,
    } else {
    }
    %get3A_8 = arith.constant 0 : index
    %get3A_9 = arith.constant 0 : index
    %get3A_10 = vector.load %arg2[%get3A_8, %get3A_9] : memref<1x128xf32, #tpu.memory_space<vmem>>, vector<1x128xf32>
    %add3A = vector.broadcast %reduce_sum3A_5 : f32 to vector<1x128xf32>
    %add3A_11 = arith.addf %get3A_10, %add3A : vector<1x128xf32>
    %swap3A = arith.constant 0 : index
    %swap3A_12 = arith.constant 0 : index
    %swap3A_13 = vector.load %arg2[%swap3A, %swap3A_12] : memref<1x128xf32, #tpu.memory_space<vmem>>, vector<1x128xf32>
    tpu.vector_store %arg2[%swap3A, %swap3A_12], %add3A_11 {strides = array<i32>} : memref<1x128xf32, #tpu.memory_space<vmem>>, vector<1x128xf32>,
    return
  }
  func.func @transform_0(%arg0: i32) -> (i32, i32) {
    %c0_i32 = arith.constant 0 : i32
    %c0_i32_0 = arith.constant 0 : i32
    return %arg0, %c0_i32 : i32, i32
  }
  func.func @transform_1(%arg0: i32) -> (i32, i32) {
    %c0_i32 = arith.constant 0 : i32
    %c0_i32_0 = arith.constant 0 : i32
    %c0_i32_1 = arith.constant 0 : i32
    return %c0_i32, %c0_i32_0 : i32, i32
  }
}

</mosaic_0001>

<sc_bundles>
// kernel: sparse-core-data-format-call.cloned.1.call-start
scs
called_computation_lowered:
.L_overlay_start_0:
0x0: {  	s1 =	sld [smem:$0x3FD9]  }
0x1: {  	s2 =	sld [smem:$0x3FFE];
	_ =	sdelay $0x1  }
0x2: {  	s3 =	srdreg.scid  }
0x3: {  	s0 =	sand.u32 $0x1, s3  }
0x4: {  	s17 =	sshll.u32 s0, $0xA;
	s1 =	sadd.s32 s2, s1  }
0x5: {  	s1 =	sadd.s32 s1, s17  }
0x6: {  	[smem:$0x3FC7] =	sst s1  }
0x7: {  	_ = 	snop  }
0x8: {  	(tm) =	ssettm $0x1  }
0x9: {  	s18 =	sld [smem:$0x3FFB];
	_ =	sdelay $0x3  }
0xa: {  	_ =	strace s18  }
0xb: {  	s1 =	sld [smem:$0x3FFC];
	_ =	sdelay $0x3  }
0xc: {  	_ =	strace s1  }
0xd: {  	s1 =	sld [smem:$0x3FFD];
	_ =	sdelay $0x3  }
0xe: {  	_ =	strace s1  }
0xf: {  	_ =	strace $0x8FFFFFFF  }
0x10: {  	s19 =	sld [smem:$0x3FDB];
	_ =	sdelay $0x1  }
0x11: {  	s20 =	simm.s32 $_scs_section_size  }
0x12: {  	s4 =	simm.s32 $_size__tile_overlayer_lowered;
	s5 =	simm.s32 $_tile_overlayer_lowered  }
0x13: {  	s23 =	simm.s32 $0x1BFF;
	s22 =	sshll.u32 s5, $0x1;
	s1 =	sadd.s32 s20, s19  }
0x14: {  	s6 =	simm.s32 $0x0;
	s21 =	sshll.u32 s4, $0x1;
	s4 =	sadd.s32 s22, s1  }
0x15: {  	[timem:s6], [sflag:s23] =	dma.local [hbm:s4], s21  }
0x16: {  	_ =	swait.ge [sflag:s23], s21  }
0x17: {  	s2 =	ssub.s32 $0x0, s21;
	[sflag:s23] =	ssyncset.done $0x0  }
0x18: {  	[sflag:s23] =	ssyncadd.s32 s2;
	_ =	sdelay $0x1  }
0x19: {  	s24 =	simm.s32 $0x1B8B  }
0x1a: {  	_ =	swait.ge [sflag:s24], $0x1  }
0x1b: {  	[sflag:s24] =	ssyncset.done $0x0  }
0x1c: {  	s26 =	simm.s32 $0x1B8E;
	s25 =	sld [smem:$0x3FFE];
	[sflag:s24] =	ssyncadd.s32 $0xFFFFFFFF  }
0x1d: {  	s27 =	simm.s32 $execute0_lowered;
	[smem:$0x3FD2] =	sst s26  }
0x1e: {  	s4 =	sshll.u32 s27, $0x1;
	_ =	strace $0x80000046;
	[dreg:$0x1] =	wrdreg $0xFFFFFFFF  }
0x1f: {  	s28 =	simm.s32 $_size_execute0_lowered;
	s1 =	sadd.s32 s1, s4;
	[dreg:$0x0] =	wrdreg $0x0  }
0x20: {  	s4 =	sshll.u32 s28, $0x1;
	[dreg:$0x2] =	wrdreg s1  }
0x21: {  	[dreg:$0x3] =	wrdreg s4  }
0x22: {  	[dreg:$0x4] =	wrdreg $0xC0  }
0x23: {  	_ =	task [dreg:s6], $0x5FFFF  }
0x24: {  	[dreg:$0x1] =	wrdreg $0xFFFFFFFF  }
0x25: {  	[dreg:$0x0] =	wrdreg $0x60  }
0x26: {  	[dreg:$0x2] =	wrdreg s25  }
0x27: {  	[dreg:$0x3] =	wrdreg $0x9  }
0x28: {  	_ =	task.clear_ibuf [dreg:s6], $0x4FFFF;
	_ =	strace $0x90000046  }
0x29: {  	s29 =	simm.s32 $0x9;
	_ =	strace $0x80000048  }
0x2a: {  	_ =	swait.ge [sflag:s29], $0x1  }
0x2b: {  	[sflag:s29] =	ssyncadd.s32 $0xFFFFFFFF  }
0x2c: {  	_ =	strace $0x90000048  }
0x2d: {  	_ =	sfence  }
0x2e: {  	s30 =	sld [smem:$0x0];
	_ =	sdelay $0x2  }
0x2f: {  	s31 =	sshll.u32 s3, $0xD;
	s3 =	sshrl.u32 s3, $0x2  }
0x30: {  	s2 =	sand.u32 $0x4000, s31;
	s1 =	sadd.s32 s3, s30  }
0x31: {  	s0 =	sor.u32 s2, s0;
	s1 =	sshll.u32 s1, $0x11  }
0x32: {  	s0 =	sor.u32 s1, s0  }
0x33: {  	s0 =	sadd.s32 $0x8F2B, s0  }
0x34: {  	[sflag:s0] =	ssyncadd.remote.s32 $0x1  }
0x35: {  	_ =	sfence.sel $0xFFFF  }
0x36: {  	[dreg:$0x0] =	wrdreg $0xFFFFFFFF;
	(pc) =	sbr.abs _section_cstart, $3  }
0x37: {  	[dreg:$0x1] =	wrdreg $0xFFFFFFFF  }
0x38: {  	_ =	task.clear_ibuf [dreg:s6], $0x2FFFF;
	_ =	strace $0x9FFFFFFF  }
0x39: {  	(tm) =	ssettm $0x7FFFFFFF  }
tec
execute0_lowered:
.L_overlay_start_1:
0x0: {  	(tag) =	ssettag $0x1  }
0x1: {  	s0 =	srdreg.scid;
	s1 =	rddreg [dreg:$0x0]  }
0x2: {  	s2 =	stileid.u32;
	_ =	strace $0x80000047;
	s29 =	simm.s32 $0x1  }
0x3: {  	s31 =	simm.s32 $0x2;
	s14 =	simm.s32 $0x0;
	s0 =	sshll.u32 s0, $0x4  }
0x4: {  	s13 =	simm.s32 $0x0;
	s8 =	simm.s32 $0x0;
	s0 =	sand.u32 $0x10, s0  }
0x5: {  	s28 =	sadd.s32 $0x600, s1;
	s1 =	sadd.s32 $0x420200, s1;
	s0 =	sor.u32 s2, s0  }
.Ltmp0:
0x6: {  	[dreg:$0x3] =	wrdreg s28;
	s9 =	sshll.u32 s0, $0x7;
	(pc) =	sbr.rel .LBB1_1-.Ltmp0, $4  }
0x7: {  	s10 =	simm.s32 $0x0;
	[dreg:$0x5] =	wrdreg s1;
	s30 =	ssub.s32 $0x5FF00, s9  }
0x8: {  	s11 =	simm.s32 $0x0;
	[dreg:$0x2] =	wrdreg s9;
	s0 =	sshrl.u32 s30, $0xC  }
0x9: {  	[sflag:s29] =	ssyncpa.u1 $0x0;
	[dreg:$0x4] =	wrdreg s0;
	s7 =	sadd.s32 $0x2, s0  }
0xa: {  	s12 =	simm.s32 $0x0;
	[sflag:s31] =	ssyncpa.u1 $0x0;
	[dreg:$0x6] =	wrdreg s7  }
.LBB1_12:
0xb: {  	s8 =	rddreg [dreg:$0x7]  }
0xc: {  	s1 =	sshll.u32 s10, $0x3;
	s3 =	rddreg [dreg:$0xb]  }
0xd: {  	s27 =	rddreg [dreg:$0xa];
	s28 =	sshrl.u32 s10, $0x3;
	s0 =	sshll.u32 s8, $0x7  }
0xe: {  	s30 =	rddreg [dreg:$0x5];
	s1 =	sand.u32 $0xFFFFFC00, s1;
	s2 =	sand.u32 $0xFFFFFC00, s0  }
0xf: {  	s31 =	sand.u32 $0x7, s10;
	s0 =	sand.u32 $0x380, s0;
	s1 =	sadd.s32 s1, s2  }
0x10: {  	p0 =	sgt.s32 s8, $0x5FEC0;
	s0 =	sor.u32 s0, s1;
	s1 =	smov.u32 s8  }
0x11: {  	s0 =	sshrl.u32 s0, $0x7;
	s1 =	simm.s32 @!p0 $0x5FEC0;
	p0 =	sgt.s32 s10, $0x0  }
0x12: {  	s26 =	smulhi.u32 $0xAAC003, s0;
	s1 =	sadd.s32 s3, s1;
	s3 =	smov.u32 s10  }
0x13: {  	s4 =	sadd.s32 $0xFFFA0140, s1;
	s3 =	simm.s32 @!p0 $0x0;
	s1 =	ssub.s32 $0x5FF40, s1  }
0x14: {  	s2 =	sshrl.u32 s26, $0xA;
	p0 =	sgt.s32 s4, $0x7F;
	s3 =	sadd.s32 s3, s27  }
0x15: {  	s2 =	smul.u32 $0x5FF40, s2;
	p1 =	sgt.s32 s3, $0x7F;
	s3 =	ssub.s32 $0x80, s3  }
0x16: {  	s7 =	rddreg [dreg:$0x6];
	s1 =	simm.s32 @p0 $0x0;
	s3 =	simm.s32 @p1 $0x0  }
0x17: {  	s29 =	sand.u32 $0xF, s28;
	s0 =	ssub.s32 s0, s2;
	s1 =	smul.u32 s3, s1  }
0x18: {  	s13 =	rddreg [dreg:$0x8];
	s2 =	sadd.s32 s30, s29;
	s0 =	sshll.u32 s0, $0x4  }
0x19: {  	s14 =	rddreg [dreg:$0x9];
	s1 =	sand.u32 $0x3FFFFFFF, s1;
	s0 =	sadd.s32 s0, s2  }
0x1a: {  	[hbm4b:s0+s31] =	stream.linear.scatter [tilespmem:s17], [sflag:$0x2], s1, $0x20;
	[tilespmem:$0x10100] =	vst v63  }
.LBB1_13:
0x1b: {  	p0 =	slt.u32 s12, $0x2  }
0x1c: {  	p1 =	sgt.s32 @!p0 s14, $0x5FEC0  }
0x1d: {  	s0 =	smov.u32 s14;
	s1 =	sshra.s32 @!p0 s14, $0x1F;
	p1 =	por !p1, p0  }
0x1e: {  	s1 =	sand.u32 @!p0 s1, s14;
	s0 =	simm.s32 @p1 $0x5FEC0  }
0x1f: {  	s0 =	ssub.s32 @!p0 s0, s1;
	s1 =	ssub.s32 @!p0 $0x0, s13  }
0x20: {  	s2 =	sadd.s32 @!p0 $0xFFFA0140, s0;
	s1 =	smin.u32 @!p0 s13, s1  }
0x21: {  	s0 =	ssub.s32 @!p0 $0x5FF40, s0;
	p1 =	sgt.s32 @!p0 s2, $0x7F;
	p2 =	sgt.s32 @!p0 s1, $0x7F  }
0x22: {  	s1 =	ssub.s32 @!p0 $0x80, s1;
	p1 =	por !p1, p0;
	p2 =	por !p2, p0  }
0x23: {  	s0 =	simm.s32 @!p1 $0x0;
	s1 =	simm.s32 @!p2 $0x0  }
0x24: {  	s0 =	smul.u32 @!p0 s1, s0  }
0x25: {  	s3 =	sadd.s32 $0x80, s11  }
0x26: {  	s2 =	simm.s32 @!p0 $0x2;
	s1 =	sadd.s32 $0x1000, s9;
	s0 =	sand.u32 @!p0 $0x3FFFFFFF, s0  }
0x27: {  	s4 =	smov.u32 s11;
	p1 =	sgt.s32 s1, $0x5FF3F;
	_ =	swait.ge @!p0 [sflag:s2], s0  }
0x28: {  	s4 =	smov.u32 @p1 s3;
	s3 =	rddreg [dreg:$0x2]  }
0x29: {  	s1 =	smov.u32 @p1 s3;
	p1 =	sgt.s32 s4, $0x50  }
0x2a: {  	s4 =	simm.s32 @p1 $0x0;
	p1 =	sne.s32 s12, s7  }
.Ltmp1:
0x2b: {  	_ = 	snop;
	(pc) =	sbr.rel @!p1 .LBB1_14-.Ltmp1, $4  }
0x2c: {  	s14 =	smov.u32 s8  }
0x2d: {  	s8 =	smov.u32 s9;
	s0 =	ssub.s32 @!p0 $0x0, s0;
	[sflag:s2] =	ssyncset.done @!p0 $0x0  }
0x2e: {  	s13 =	smov.u32 s10;
	s10 =	smov.u32 s11;
	[sflag:s2] =	ssyncadd.s32 @!p0 s0  }
0x2f: {  	s12 =	sadd.s32 $0x1, s12;
	s9 =	smov.u32 s1;
	s11 =	smov.u32 s4  }
.LBB1_1:
0x30: {  	s0 =	rddreg [dreg:$0x4]  }
0x31: {  	p0 =	sgt.u32 s12, s0  }
0x32: {  	s0 =	sshrl.u32 @!p0 s11, $0x3  }
0x33: {  	s1 =	sshll.u32 @!p0 s9, $0x3;
	s0 =	smul.u32 @!p0 $0x2FFC00, s0  }
0x34: {  	s5 =	smov.u32 s9;
	s2 =	sshll.u32 @!p0 s11, $0x7;
	s1 =	sand.u32 @!p0 $0xFFFFFC00, s1  }
0x35: {  	s3 =	sand.u32 @!p0 $0x7F, s9;
	s0 =	sadd.s32 @!p0 s0, s1;
	s1 =	sand.u32 @!p0 $0x380, s2  }
0x36: {  	p1 =	sgt.s32 @!p0 s11, $0xFFFFFFD8;
	s4 =	sshra.s32 @!p0 s11, $0x1F;
	s0 =	sor.u32 @!p0 s1, s0  }
0x37: {  	s6 =	sshra.s32 @!p0 s9, $0x1F;
	p1 =	por !p1, p0;
	s1 =	smulhi.u32 @!p0 $0x555C725F, s0  }
0x38: {  	s4 =	sand.u32 @!p0 s4, s11;
	s0 =	sor.u32 @!p0 s3, s0;
	s3 =	smov.u32 s11  }
0x39: {  	s3 =	simm.s32 @p1 $0xFFFFFFD8;
	p1 =	sgt.s32 @!p0 s9, $0x5FF00;
	s1 =	sshrl.u32 @!p0 s1, $0x11  }
0x3a: {  	p1 =	por !p1, p0;
	s3 =	ssub.s32 @!p0 s3, s4;
	s2 =	smul.u32 @!p0 $0xBA3, s1  }
0x3b: {  	s4 =	sand.u32 @!p0 s6, s9;
	s6 =	smulhi.u32 @!p0 $0x555C725F, s0;
	s5 =	simm.s32 @p1 $0x5FF00  }
0x3c: {  	s4 =	ssub.s32 @!p0 s5, s4;
	s5 =	sadd.s32 @!p0 $0x28, s3;
	s2 =	sshrl.u32 @!p0 s2, $0x12  }
0x3d: {  	p1 =	sgt.s32 @!p0 s5, $0x7F;
	s5 =	sshrl.u32 @!p0 s6, $0x11;
	s2 =	smul.u32 @!p0 $0x58, s2  }
0x3e: {  	s3 =	ssub.s32 @!p0 $0x58, s3;
	s5 =	smul.u32 @!p0 $0x5FF80, s5  }
0x3f: {  	p1 =	por !p1, p0;
	s1 =	ssub.s32 @!p0 s1, s2;
	s2 =	sadd.s32 @!p0 $0xFFFA0100, s4  }
0x40: {  	s3 =	simm.s32 @!p1 $0x0;
	s4 =	ssub.s32 @!p0 $0x5FF80, s4;
	p2 =	sgt.s32 @!p0 s2, $0x7F  }
0x41: {  	s0 =	ssub.s32 @!p0 s0, s5;
	s1 =	sand.u32 @!p0 $0xFFFF, s1;
	p2 =	por !p2, p0  }
0x42: {  	s2 =	sxor.u32 @!p0 $0xFFFFFFFF, s12;
	s1 =	smul.u32 @!p0 $0xBFF0, s1;
	s4 =	simm.s32 @!p2 $0x0  }
0x43: {  	s5 =	rddreg [dreg:$0x3];
	s2 =	sshll.u32 @!p0 s2, $0xE;
	s3 =	smul.u32 @!p0 s3, s4  }
0x44: {  	s2 =	sand.u32 @!p0 $0x4000, s2;
	s4 =	sshrl.u32 @!p0 s0, $0x3;
	s0 =	sand.u32 @!p0 $0x7, s0  }
0x45: {  	s4 =	sadd.s32 @!p0 s5, s4;
	s0 =	sshll.u32 @!p0 s0, $0x12;
	s3 =	sand.u32 @!p0 $0x3FFFFFFF, s3  }
0x46: {  	s1 =	sadd.s32 @!p0 s1, s4;
	s0 =	sor.u32 @!p0 $0x400, s0;
	s4 =	simm.s32 @!p0 $0x2FFC00  }
0x47: {  	[tilespmem:s2], [sflag:$0x1] =	stream.strided.gather @!p0 [hbm4b:s1+s0], s3, s4, s0, $0x38;
	[tilespmem:$0x10100] =	vst v63  }
0x48: {  	p0 =	seq.s32 s12, $0x0  }
0x49: {  	p1 =	sge.u32 @!p0 s12, s7  }
0x4a: {  	p0 =	por p0, p1  }
.Ltmp2:
0x4b: {  	_ = 	snop;
	(pc) =	sbr.rel @p0 .LBB1_13-.Ltmp2, $1  }
0x4c: {  	_ =	sdelay $0x3  }
0x4d: {  	s0 =	ssub.s32 $0x0, s10;
	s1 =	sshra.s32 s10, $0x1F;
	p0 =	sgt.s32 s10, $0xFFFFFFD8  }
0x4e: {  	s2 =	smov.u32 s10;
	s25 =	ssub.s32 $0x0, s8;
	s26 =	sshra.s32 s8, $0x1F  }
0x4f: {  	s3 =	smov.u32 s8;
	s2 =	simm.s32 @!p0 $0xFFFFFFD8;
	p0 =	sgt.s32 s8, $0x5FF00  }
0x50: {  	s4 =	sand.u32 s0, s1;
	s1 =	sand.u32 s25, s26;
	s3 =	simm.s32 @!p0 $0x5FF00  }
0x51: {  	s2 =	sadd.s32 s4, s2;
	[dreg:$0xb] =	wrdreg s1;
	s1 =	sadd.s32 s1, s3  }
0x52: {  	s27 =	sadd.s32 $0x28, s2;
	s2 =	ssub.s32 $0x58, s2;
	s28 =	sadd.s32 $0xFFFA0100, s1  }
0x53: {  	p0 =	sgt.s32 s27, $0x7F;
	s0 =	ssub.s32 $0x5FF80, s1;
	p1 =	sgt.s32 s28, $0x7F  }
0x54: {  	s2 =	simm.s32 @p0 $0x0;
	s0 =	simm.s32 @p1 $0x0  }
0x55: {  	s29 =	smul.u32 s2, s0;
	s2 =	sadd.s32 $0x80, s10  }
0x56: {  	p0 =	slt.s32 s2, $0x51  }
0x57: {  	s2 =	simm.s32 @!p0 $0x51  }
0x58: {  	[dreg:$0x9] =	wrdreg s14;
	s18 =	ssub.s32 s2, s10  }
0x59: {  	[dreg:$0x8] =	wrdreg s13;
	p0 =	slt.s32 s18, $0x1  }
.Ltmp3:
0x5a: {  	[dreg:$0x7] =	wrdreg s8;
	s30 =	simm.s32 $0x1;
	(pc) =	sbr.rel @p0 .LBB1_12-.Ltmp3, $4  }
0x5b: {  	[dreg:$0xa] =	wrdreg s4;
	s0 =	sand.u32 $0x1, s12;
	s1 =	sand.u32 $0x3FFFFFFF, s29  }
0x5c: {  	s31 =	smul.u32 $0x4080, s0;
	_ =	swait.ge [sflag:s30], s1  }
0x5d: {  	s1 =	ssub.s32 $0x0, s1;
	[sflag:s30] =	ssyncset.done $0x0  }
0x5e: {  	s17 =	sor.u32 $0x8000, s31;
	[sflag:s30] =	ssyncadd.s32 s1  }
0x5f: {  	s2 =	rddreg [dreg:$0x7]  }
0x60: {  	s1 =	sadd.s32 $0x80, s2  }
0x61: {  	p0 =	slt.s32 s1, $0x5FF40  }
.Ltmp4:
0x62: {  	s1 =	simm.s32 @!p0 $0x5FF40;
	(pc) =	sbr.rel .LBB1_4-.Ltmp4, $4  }
0x63: {  	s21 =	sshll.u32 s0, $0xE;
	s1 =	ssub.s32 s1, s2  }
0x64: {  	s23 =	simm.s32 $0x0;
	s24 =	simm.s32 $0x400;
	s1 =	sadd.s32 $0xF, s1  }
0x65: {  	s19 =	sand.u32 $0xFFFFFFF0, s1;
	s20 =	sand.u32 $0xFFFFFF00, s1;
	s31 =	sshll.u32 s1, $0x3  }
0x66: {  	p0 =	slt.s32 s1, $0x100;
	s22 =	sand.u32 $0xFFFFF800, s31;
	p1 =	sge.s32 s20, s19  }
.LBB1_11:
0x67: {  	s23 =	sadd.s32 $0x1, s23  }
0x68: {  	p2 =	sne.s32 s23, s18  }
.Ltmp5:
0x69: {  	_ = 	snop;
	(pc) =	sbr.rel @!p2 .LBB1_12-.Ltmp5, $2  }
0x6a: {  	_ =	sdelay $0x2  }
0x6b: {  	s24 =	sadd.s32 $0x80, s24  }
.LBB1_4:
.Ltmp6:
0x6c: {  	(pc) =	sbr.rel @p0 .LBB1_8-.Ltmp6, $2  }
0x6d: {  	_ =	sdelay $0x2  }
0x6e: {  	s25 =	sshll.u32 s23, $0x7;
	s26 =	sand.u32 $0x7F, s23  }
0x6f: {  	s0 =	sshll.u32 s23, $0x3  }
0x70: {  	s5 =	sand.u32 $0x380, s25;
	s2 =	sshrl.u32 s0, $0x7;
	s3 =	sadd.s32 $0x800, s0  }
0x71: {  	s6 =	sadd.s32 $0x1000, s0;
	s16 =	sadd.s32 s5, s21;
	s15 =	sadd.s32 $0x1800, s0  }
0x72: {  	s13 =	sadd.s32 $0x2800, s0;
	s1 =	sand.u32 $0x78, s2;
	s3 =	sshrl.u32 s3, $0x7  }
0x73: {  	s14 =	sshrl.u32 s6, $0x7;
	s6 =	sshrl.u32 s15, $0x7;
	s15 =	sadd.s32 $0x3000, s0  }
0x74: {  	s0 =	sadd.s32 $0x3800, s0;
	s4 =	smul.u32 $0x204, s1;
	s3 =	sand.u32 $0x78, s3  }
0x75: {  	v0 =	vmov s16;
	s16 =	sand.u32 $0x3C00, s24;
	s5 =	sand.u32 $0x78, s14;
	s3 =	smul.u32 $0x204, s3  }
0x76: {  	s7 =	sand.u32 $0x78, s6;
	s1 =	sxor.u32 $0x40, s1;
	s5 =	smul.u32 $0x204, s5  }
0x77: {  	s14 =	sshrl.u32 s13, $0x7;
	s1 =	smul.u32 $0x204, s1;
	s4 =	sshrl.u32 s4, $0x2  }
0x78: {  	s13 =	sadd.s32 $0x10, s2;
	s4 =	sadd.s32 s4, s17;
	s3 =	sshrl.u32 s3, $0x2  }
0x79: {  	s8 =	sshrl.u32 s5, $0x2;
	s1 =	sshrl.u32 s1, $0x2;
	s5 =	sshrl.u32 s15, $0x7  }
0x7a: {  	s3 =	sadd.s32 s3, s17;
	s27 =	sadd.s32 s26, s4;
	s4 =	sadd.s32 s8, s17  }
0x7b: {  	s1 =	sadd.s32 s1, s17;
	s28 =	sadd.s32 s26, s3;
	s3 =	smul.u32 $0x204, s7  }
0x7c: {  	s29 =	sadd.s32 s26, s4;
	s4 =	sand.u32 $0x78, s14;
	s30 =	sadd.s32 s26, s1  }
0x7d: {  	s1 =	sand.u32 $0x78, s5;
	s7 =	sshrl.u32 s0, $0x7;
	s14 =	sadd.s32 $0x20, s2  }
0x7e: {  	s4 =	smul.u32 $0x204, s4;
	s8 =	sand.u32 $0x78, s7;
	s5 =	sand.u32 $0x78, s14  }
0x7f: {  	s7 =	sadd.s32 $0x30, s2;
	s3 =	sshrl.u32 s3, $0x2;
	s5 =	smul.u32 $0x204, s5  }
0x80: {  	s3 =	sadd.s32 s3, s17;
	s6 =	sshrl.u32 s4, $0x2;
	s4 =	sand.u32 $0x78, s13  }
0x81: {  	s13 =	sadd.s32 $0x60, s2;
	s31 =	sadd.s32 s26, s3;
	s4 =	smul.u32 $0x204, s4  }
0x82: {  	s3 =	sadd.s32 s6, s17;
	s5 =	sshrl.u32 s5, $0x2;
	s13 =	sand.u32 $0x78, s13  }
0x83: {  	s0 =	sadd.s32 s26, s3;
	s3 =	smul.u32 $0x204, s8;
	s4 =	sshrl.u32 s4, $0x2  }
0x84: {  	s15 =	sadd.s32 s4, s17;
	s4 =	sand.u32 $0x78, s7;
	s7 =	sadd.s32 $0x50, s2  }
0x85: {  	s13 =	smul.u32 $0x204, s13;
	s2 =	sadd.s32 $0x70, s2;
	s7 =	sand.u32 $0x78, s7  }
0x86: {  	v1 =	vld.idx.msk [tilespmem:v0+s16+$0x0 ss:$0x1], $0xffff;
	s3 =	sshrl.u32 s3, $0x2;
	s2 =	sand.u32 $0x78, s2;
	s7 =	smul.u32 $0x204, s7  }
0x87: {  	s13 =	sshrl.u32 s13, $0x2;
	s3 =	sadd.s32 s3, s17;
	s2 =	smul.u32 $0x204, s2  }
0x88: {  	s14 =	sadd.s32 s5, s17;
	s13 =	sadd.s32 s13, s17;
	s6 =	sadd.s32 s26, s3  }
0x89: {  	s3 =	sadd.s32 s26, s14;
	s7 =	sshrl.u32 s7, $0x2;
	s2 =	sshrl.u32 s2, $0x2  }
0x8a: {  	s14 =	sadd.s32 $0xFFFFFC00, s24;
	s7 =	sadd.s32 s7, s17;
	s8 =	sadd.s32 s2, s17  }
0x8b: {  	[tilespmem:s27+$0x0 ss:$0x81] =	vst.msk $0xffff, v1;
	v1 =	vld.idx.msk [tilespmem:v0+s16+$0x20 ss:$0x1], $0xffff;
	s2 =	sadd.s32 s26, s7;
	s7 =	sadd.s32 s26, s13;
	s13 =	sand.u32 $0x3C00, s14  }
0x8c: {  	v2 =	vld.idx.msk [tilespmem:v0+s13+$0x70 ss:$0x1], $0xffff  }
0x8d: {  	v3 =	vld.idx.msk [tilespmem:v0+s13+$0x0 ss:$0x1], $0xffff  }
0x8e: {  	v4 =	vld.idx.msk [tilespmem:v0+s13+$0x10 ss:$0x1], $0xffff  }
0x8f: {  	v5 =	vld.idx.msk [tilespmem:v0+s13+$0x20 ss:$0x1], $0xffff  }
0x90: {  	v6 =	vld.idx.msk [tilespmem:v0+s13+$0x30 ss:$0x1], $0xffff  }
0x91: {  	v7 =	vld.idx.msk [tilespmem:v0+s13+$0x40 ss:$0x1], $0xffff;
	[tilespmem:s6+$0x0 ss:$0x81] =	vst.msk $0xffff, v2  }
0x92: {  	s1 =	smul.u32 $0x204, s1;
	v8 =	vld.idx.msk [tilespmem:v0+s13+$0x50 ss:$0x1], $0xffff;
	[tilespmem:s27+$0x0 ss:$0x81] =	vst.msk $0xffff, v3  }
0x93: {  	p2 =	sgt.s32 s20, $0x100;
	s4 =	smul.u32 $0x204, s4;
	v9 =	vld.idx.msk [tilespmem:v0+s13+$0x60 ss:$0x1], $0xffff;
	[tilespmem:s28+$0x0 ss:$0x81] =	vst.msk $0xffff, v4  }
.Ltmp7:
0x94: {  	v4 =	vld.idx.msk [tilespmem:v0+s16+$0x10 ss:$0x1], $0xffff;
	[tilespmem:s29+$0x0 ss:$0x81] =	vst.msk $0xffff, v5;
	(pc) =	sbr.rel @!p2 .LBB1_7-.Ltmp7, $4  }
0x95: {  	s1 =	sshrl.u32 s1, $0x2;
	s4 =	sshrl.u32 s4, $0x2;
	[tilespmem:s31+$0x0 ss:$0x81] =	vst.msk $0xffff, v6;
	v2 =	vld.idx.msk [tilespmem:v0+s16+$0x30 ss:$0x1], $0xffff  }
0x96: {  	s1 =	sadd.s32 s1, s17;
	s4 =	sadd.s32 s4, s17;
	[tilespmem:s30+$0x0 ss:$0x81] =	vst.msk $0xffff, v7;
	v3 =	vld.idx.msk [tilespmem:v0+s16+$0x40 ss:$0x1], $0xffff  }
0x97: {  	s1 =	sadd.s32 s26, s1;
	s5 =	sadd.s32 s26, s15;
	s4 =	sadd.s32 s26, s4;
	[tilespmem:s0+$0x0 ss:$0x81] =	vst.msk $0xffff, v8;
	v5 =	vld.idx.msk [tilespmem:v0+s16+$0x50 ss:$0x1], $0xffff  }
0x98: {  	s15 =	sadd.s32 s26, s8;
	s14 =	sadd.s32 $0x800, s24;
	s13 =	simm.s32 $0x100;
	[tilespmem:s1+$0x0 ss:$0x81] =	vst.msk $0xffff, v9;
	v6 =	vld.idx.msk [tilespmem:v0+s16+$0x60 ss:$0x1], $0xffff  }
.LBB1_6:
0x99: {  	s8 =	sadd.s32 $0xFFFFFC00, s14;
	s13 =	sadd.s32 $0x100, s13;
	[tilespmem:s5+$0x0 ss:$0x81] =	vst.msk $0xffff, v4;
	v4 =	vld.idx.msk [tilespmem:v0+s16+$0x70 ss:$0x1], $0xffff;
	s16 =	sand.u32 $0x3C00, s14  }
0x9a: {  	s8 =	sand.u32 $0x3C00, s8;
	v7 =	vld.idx.msk [tilespmem:v0+s16+$0x0 ss:$0x1], $0xffff;
	p2 =	slt.s32 s13, s20;
	[tilespmem:s3+$0x0 ss:$0x81] =	vst.msk $0xffff, v1  }
0x9b: {  	v1 =	vld.idx.msk [tilespmem:v0+s8+$0x70 ss:$0x1], $0xffff;
	[tilespmem:s4+$0x0 ss:$0x81] =	vst.msk $0xffff, v2  }
0x9c: {  	v2 =	vld.idx.msk [tilespmem:v0+s8+$0x0 ss:$0x1], $0xffff;
	[tilespmem:s30+$0x0 ss:$0x81] =	vst.msk $0xffff, v3  }
0x9d: {  	v3 =	vld.idx.msk [tilespmem:v0+s8+$0x10 ss:$0x1], $0xffff;
	[tilespmem:s2+$0x0 ss:$0x81] =	vst.msk $0xffff, v5  }
0x9e: {  	v5 =	vld.idx.msk [tilespmem:v0+s8+$0x20 ss:$0x1], $0xffff;
	[tilespmem:s7+$0x0 ss:$0x81] =	vst.msk $0xffff, v6  }
0x9f: {  	v6 =	vld.idx.msk [tilespmem:v0+s8+$0x30 ss:$0x1], $0xffff;
	[tilespmem:s15+$0x0 ss:$0x81] =	vst.msk $0xffff, v4  }
0xa0: {  	v8 =	vld.idx.msk [tilespmem:v0+s8+$0x40 ss:$0x1], $0xffff;
	[tilespmem:s27+$0x0 ss:$0x81] =	vst.msk $0xffff, v7  }
0xa1: {  	v7 =	vld.idx.msk [tilespmem:v0+s8+$0x50 ss:$0x1], $0xffff;
	[tilespmem:s6+$0x0 ss:$0x81] =	vst.msk $0xffff, v1  }
0xa2: {  	[tilespmem:s27+$0x0 ss:$0x81] =	vst.msk $0xffff, v2;
	v9 =	vld.idx.msk [tilespmem:v0+s8+$0x60 ss:$0x1], $0xffff  }
0xa3: {  	[tilespmem:s28+$0x0 ss:$0x81] =	vst.msk $0xffff, v3;
	v4 =	vld.idx.msk [tilespmem:v0+s16+$0x10 ss:$0x1], $0xffff  }
.Ltmp8:
0xa4: {  	[tilespmem:s29+$0x0 ss:$0x81] =	vst.msk $0xffff, v5;
	v1 =	vld.idx.msk [tilespmem:v0+s16+$0x20 ss:$0x1], $0xffff;
	(pc) =	sbr.rel @p2 .LBB1_6-.Ltmp8, $4  }
0xa5: {  	[tilespmem:s31+$0x0 ss:$0x81] =	vst.msk $0xffff, v6;
	v2 =	vld.idx.msk [tilespmem:v0+s16+$0x30 ss:$0x1], $0xffff  }
0xa6: {  	[tilespmem:s30+$0x0 ss:$0x81] =	vst.msk $0xffff, v8;
	v3 =	vld.idx.msk [tilespmem:v0+s16+$0x40 ss:$0x1], $0xffff  }
0xa7: {  	[tilespmem:s0+$0x0 ss:$0x81] =	vst.msk $0xffff, v7;
	v5 =	vld.idx.msk [tilespmem:v0+s16+$0x50 ss:$0x1], $0xffff  }
0xa8: {  	s14 =	sadd.s32 $0x800, s14;
	[tilespmem:s1+$0x0 ss:$0x81] =	vst.msk $0xffff, v9;
	v6 =	vld.idx.msk [tilespmem:v0+s16+$0x60 ss:$0x1], $0xffff  }
.LBB1_7:
0xa9: {  	_ =	sdelay $0x2  }
0xaa: {  	[tilespmem:s5+$0x0 ss:$0x81] =	vst.msk $0xffff, v4  }
0xab: {  	v0 =	vld.idx.msk [tilespmem:v0+s16+$0x70 ss:$0x1], $0xffff;
	[tilespmem:s3+$0x0 ss:$0x81] =	vst.msk $0xffff, v1  }
0xac: {  	[tilespmem:s4+$0x0 ss:$0x81] =	vst.msk $0xffff, v2  }
0xad: {  	[tilespmem:s30+$0x0 ss:$0x81] =	vst.msk $0xffff, v3  }
0xae: {  	[tilespmem:s2+$0x0 ss:$0x81] =	vst.msk $0xffff, v5  }
0xaf: {  	[tilespmem:s7+$0x0 ss:$0x81] =	vst.msk $0xffff, v6  }
0xb0: {  	[tilespmem:s15+$0x0 ss:$0x81] =	vst.msk $0xffff, v0  }
.LBB1_8:
.Ltmp9:
0xb1: {  	(pc) =	sbr.rel @p1 .LBB1_11-.Ltmp9, $1  }
0xb2: {  	_ =	sdelay $0x3  }
0xb3: {  	s1 =	sand.u32 $0x380, s25;
	s0 =	sshrl.u32 s23, $0x4;
	s2 =	sadd.s32 s26, s17  }
0xb4: {  	s3 =	smov.u32 s22;
	s4 =	smov.u32 s20;
	s1 =	sadd.s32 s1, s21  }
.LBB1_10:
0xb5: {  	s5 =	sand.u32 $0x3C00, s3  }
0xb6: {  	s5 =	sadd.s32 s25, s5  }
0xb7: {  	s5 =	sand.u32 $0x3C00, s5  }
0xb8: {  	s6 =	sand.u32 $0x70, s4;
	s30 =	sadd.s32 s4, s0;
	s5 =	sadd.s32 s5, s1  }
0xb9: {  	s4 =	sadd.s32 $0x10, s4;
	s31 =	sand.u32 $0x78, s30;
	s5 =	sadd.s32 s6, s5  }
0xba: {  	p2 =	slt.s32 s4, s19;
	v0 =	vld [tilespmem:s5+$0x0];
	s5 =	smul.u32 $0x204, s31  }
.Ltmp10:
0xbb: {  	_ = 	snop;
	(pc) =	sbr.rel @p2 .LBB1_10-.Ltmp10, $4  }
0xbc: {  	_ = 	snop  }
0xbd: {  	s5 =	sshrl.u32 s5, $0x2  }
0xbe: {  	s5 =	sadd.s32 s5, s2  }
0xbf: {  	s3 =	sadd.s32 $0x80, s3;
	[tilespmem:s5+$0x0 ss:$0x81] =	vst.msk $0xffff, v0  }
.Ltmp11:
0xc0: {  	_ = 	snop;
	(pc) =	sbr.rel .LBB1_11-.Ltmp11, $1  }
0xc1: {  	_ =	sdelay $0x3  }
.LBB1_14:
0xc2: {  	_ =	sfence.sel $0x180000  }
0xc3: {  	s0 =	simm.s32 $0x1;
	[bflag:$0x0] =	sbarrier.arrive $0xFFFF  }
0xc4: {  	s30 =	simm.s32 $0x2;
	[sflag:s0] =	ssyncpa.u1 $0x1  }
0xc5: {  	[sflag:s30] =	ssyncpa.u1 $0x1  }
0xc6: {  	_ =	strace $0x90000047  }
0xc7: {  	s31 =	stileid.u32;
	[bflag:$0x2] =	sbarrier.arrive $0xFFFF  }
0xc8: {  	p0 =	sne.s32 s31, $0x0;
	s0 =	rddreg [dreg:$0x1]  }
0xc9: {  	s0 =	sadd.s32 @!p0 $0x100000, s0  }
0xca: {  	[sflag:s0] =	ssyncadd.tile.s32 @!p0 $0x1;
	_ =	shalt  }
.Lfunc_end1:
_tile_overlayer_lowered:
.L_overlay_start_2:
0xcb: {  	(tag) =	ssettag $0x2  }
0xcc: {  	s0 =	rddreg [dreg:$0x0];
	s2 =	stileid.u32  }
0xcd: {  	s1 =	rddreg [dreg:$0x1];
	p0 =	sne.s32 s2, $0x0  }
0xce: {  	s3 =	rddreg [dreg:$0x2];
	[bflag:$0x3] =	sbarrier.arrive $0xFFFF;
	s2 =	simm.s32 @!p0 $0x1C01  }
0xcf: {  	[timem:s3], [sflag:s2] =	dma.local @!p0 [hbm:s0], s1  }
0xd0: {  	s0 =	simm.s32 @!p0 $0x1  }
0xd1: {  	_ =	swait.ge @!p0 [sflag:s0], s1  }
0xd2: {  	s1 =	ssub.s32 @!p0 $0x0, s1;
	[sflag:s0] =	ssyncset.done @!p0 $0x0  }
0xd3: {  	[sflag:s0] =	ssyncadd.s32 @!p0 s1  }
0xd4: {  	[bflag:$0x3] =	sbarrier.arrive $0xFFFF  }
0xd5: {  	_ =	shalt  }

</sc_bundles>
